<compile_context>
chip_gen: v7x
topology: tpu7x:2x2x1
jax: 0.10.2.dev20260603
libtpu: 0.0.44.dev20260713+nightly
codegen_flags: <defaults>
</compile_context>

<pallas_src>
import functools

import jax
import jax.numpy as jnp
from jax import lax
from jax.experimental import pallas as pl
from jax.experimental.pallas import tpu as pltpu
from jax.experimental.pallas import tpu_sc as plsc

N_NODES_ = 10000
N_EDGES_ = 320000
D_ = 128

NC = 2
NS = 16
NW = NC * NS
E_PER_TILE = N_EDGES_ // NW
CHUNK = 80
N_CHUNKS = E_PER_TILE // CHUNK
ACC_ROWS = N_NODES_
ROWS_PER_TILE = 624
TAIL_BASE = NS * ROWS_PER_TILE


def _sc_body(src_hbm, dst_hbm, emb_hbm, zeros_hbm, out_hbm,
             src_v, dst_v, rows0, rows1, acc, semr0, semr1, sems0, sems1):
  c = lax.axis_index("c")
  s = lax.axis_index("s")
  t = c * NS + s
  row_base = s * ROWS_PER_TILE

  pltpu.sync_copy(zeros_hbm.at[pl.ds(row_base, ROWS_PER_TILE)],
                  acc.at[pl.ds(row_base, ROWS_PER_TILE)])

  @pl.when(s == 0)
  def _init_tail():
    pltpu.sync_copy(zeros_hbm.at[pl.ds(TAIL_BASE, ACC_ROWS - TAIL_BASE)],
                    acc.at[pl.ds(TAIL_BASE, ACC_ROWS - TAIL_BASE)])

  pltpu.sync_copy(src_hbm.at[t], src_v)
  pltpu.sync_copy(dst_hbm.at[t], dst_v)
  plsc.subcore_barrier()

  rows = (rows0, rows1)
  semr = (semr0, semr1)
  sems = (sems0, sems1)
  src_flat = src_v

  def gather(j, b):
    return pltpu.async_copy(
        emb_hbm.at[src_flat.at[pl.ds(j * CHUNK, CHUNK)]], rows[b], semr[b],
        priority=1)

  def step(j, b, first, last):
    nb = 1 - b
    pltpu.make_async_copy(emb_hbm.at[src_flat.at[pl.ds(0, CHUNK)]],
                          rows[b], semr[b]).wait()
    if not first:
      pltpu.make_async_copy(rows[nb], acc.at[dst_v.at[j]], sems[nb]).wait()
    if not last:
      gather(j + 1, nb)
    pltpu.async_copy(rows[b], acc.at[dst_v.at[j]], sems[b], add=True)

  gather(0, 0)
  step(0, 0, True, False)

  def chunk_pair(i, carry):
    j = 2 * i + 1
    step(j, 1, False, False)
    step(j + 1, 0, False, False)
    return carry

  lax.fori_loop(0, (N_CHUNKS - 2) // 2, chunk_pair, 0)
  for j in range(N_CHUNKS - 1 - (N_CHUNKS % 2), N_CHUNKS):
    step(j, j % 2, False, j == N_CHUNKS - 1)
  b_last = (N_CHUNKS - 1) % 2
  pltpu.make_async_copy(rows[b_last], acc.at[dst_v.at[0]],
                        sems[b_last]).wait()

  plsc.subcore_barrier()
  pltpu.sync_copy(acc.at[pl.ds(row_base, ROWS_PER_TILE)],
                  out_hbm.at[c, pl.ds(row_base, ROWS_PER_TILE)])

  @pl.when(s == 0)
  def _write_tail():
    pltpu.sync_copy(acc.at[pl.ds(TAIL_BASE, N_NODES_ - TAIL_BASE)],
                    out_hbm.at[c, pl.ds(TAIL_BASE, N_NODES_ - TAIL_BASE)])


@functools.partial(
    pl.kernel,
    out_type=jax.ShapeDtypeStruct((NC, N_NODES_, D_), jnp.float32),
    mesh=plsc.VectorSubcoreMesh(core_axis_name="c", subcore_axis_name="s"),
    scratch_types=[
        pltpu.VMEM((N_CHUNKS * CHUNK,), jnp.int32),
        pltpu.VMEM((N_CHUNKS, CHUNK), jnp.int32),
        pltpu.VMEM((CHUNK, D_), jnp.float32),
        pltpu.VMEM((CHUNK, D_), jnp.float32),
        pltpu.VMEM_SHARED((ACC_ROWS, D_), jnp.float32),
        pltpu.SemaphoreType.DMA,
        pltpu.SemaphoreType.DMA,
        pltpu.SemaphoreType.DMA,
        pltpu.SemaphoreType.DMA,
    ],
)
def _sc_aggregate(src_hbm, dst_hbm, emb_hbm, zeros_hbm, out_hbm,
                  src_v, dst_v, rows0, rows1, acc,
                  semr0, semr1, sems0, sems1):
  _sc_body(src_hbm, dst_hbm, emb_hbm, zeros_hbm, out_hbm,
           src_v, dst_v, rows0, rows1, acc, semr0, semr1, sems0, sems1)


def _add_body(a_ref, b_ref, o_ref):
  o_ref[...] = a_ref[...] + b_ref[...]


def _combine(p0, p1):
  blk = 1000
  return pl.pallas_call(
      _add_body,
      out_shape=jax.ShapeDtypeStruct((N_NODES_, D_), jnp.float32),
      grid=(N_NODES_ // blk,),
      in_specs=[pl.BlockSpec((blk, D_), lambda i: (i, 0)),
                pl.BlockSpec((blk, D_), lambda i: (i, 0))],
      out_specs=pl.BlockSpec((blk, D_), lambda i: (i, 0)),
  )(p0, p1)


def kernel(mode, edge_index, entity_embed):
  del mode
  src_p = edge_index[0].reshape(NW, E_PER_TILE)
  dst_p = edge_index[1].reshape(NW, N_CHUNKS, CHUNK)
  zeros = jnp.zeros((ACC_ROWS, D_), jnp.float32)
  partials = _sc_aggregate(src_p, dst_p, entity_embed, zeros)
  return _combine(partials[0], partials[1])

# --- scband reference (transcript-rebuilt; emitter-appended) ---
"""Pipeline reference for scband-aggregator-6562710028649 (READ-ONLY COPY).

The authoritative reference and input builder live on the scoring server;
editing this copy changes nothing except your own understanding.
"""

import jax, jax.numpy as jnp
import numpy as np

N_NODES = 10000
N_EDGES = 320000
D_FEAT = 128

def setup_inputs(seed: int = 0) -> dict:
    key = jax.random.key(seed)
    k1, k2 = jax.random.split(key)
    edge_index = jax.random.randint(k1, (2, N_EDGES), 0, N_NODES, dtype=jnp.int64 if jax.config.jax_enable_x64 else jnp.int32).astype(jnp.int32)
    entity_embed = jax.random.normal(k2, (N_NODES, D_FEAT), dtype=jnp.float32)
    return {"mode": 0, "edge_index": edge_index, "entity_embed": entity_embed}

def reference(mode, edge_index, entity_embed):
    # DGL copy_u('node','side') + sum('side','H'):
    # for each edge (src, dst), gather src node feature and scatter-add to dst.
    src = edge_index[0]
    dst = edge_index[1]
    messages = jnp.take(entity_embed, src, axis=0)
    out = jax.ops.segment_sum(messages, dst, num_segments=entity_embed.shape[0])
    # message_dropout is identity in eval mode (deterministic reference)
    return out

if __name__ == "__main__":
    import jax
    _d = setup_inputs()
    print(jax.jit(kernel)(*tuple(_d.values())))

</pallas_src>

<mosaic_0001>
#map = affine_map<(d0, d1) -> (0, 0)>
#map1 = affine_map<(d0, d1) -> (0, 0, 0)>
module attributes {stable_mosaic.version = 14 : i64} {
  func.func @_sc_aggregate(%arg0: i32, %arg1: i32, %arg2: memref<32x10000xi32, #tpu.memory_space<hbm>>, %arg3: memref<32x125x80xi32, #tpu.memory_space<hbm>>, %arg4: memref<10000x128xf32, #tpu.memory_space<hbm>>, %arg5: memref<10000x128xf32, #tpu.memory_space<hbm>>, %arg6: memref<2x10000x128xf32, #tpu.memory_space<hbm>>, %arg7: memref<10000xi32, #tpu.memory_space<vmem>>, %arg8: memref<125x80xi32, #tpu.memory_space<vmem>>, %arg9: memref<80x128xf32, #tpu.memory_space<vmem>>, %arg10: memref<80x128xf32, #tpu.memory_space<vmem>>, %arg11: memref<10000x128xf32, #tpu.memory_space<vmem_shared>>, %arg12: memref<!tpu.dma_semaphore, #tpu.memory_space<semaphore_mem>>, %arg13: memref<!tpu.dma_semaphore, #tpu.memory_space<semaphore_mem>>, %arg14: memref<!tpu.dma_semaphore, #tpu.memory_space<semaphore_mem>>, %arg15: memref<!tpu.dma_semaphore, #tpu.memory_space<semaphore_mem>>) attributes {dimension_semantics = [#tpu.dimension_semantics<core_parallel>, #tpu.dimension_semantics<subcore_parallel>], iteration_bounds = array<i64: 2, 16>, scalar_prefetch = 0 : i64, scratch_operands = 9 : i64, tpu.core_type = #tpu.core_type<sc_vector_subcore>, window_params = [{transform_indices = #map}, {transform_indices = #map1}, {transform_indices = #map}, {transform_indices = #map}, {transform_indices = #map1}]} {
    %mul3A = arith.constant 16 : i32
    %mul3A_0 = arith.muli %arg0, %mul3A : i32
    %add3A = arith.addi %mul3A_0, %arg1 : i32
    %mul3A_1 = arith.constant 624 : i32
    %mul3A_2 = arith.muli %arg1, %mul3A_1 : i32
    "tpu.region"() ({
      %run_scoped3A = tpu.sem_alloc : memref<!tpu.dma_semaphore, #tpu.memory_space<semaphore_mem>>
      %dma_start3A_86 = arith.constant 0 : i32
      %dma_start3A_87 = tpu.memref_slice %arg11[%mul3A_2, %dma_start3A_86] : memref<10000x128xf32, #tpu.memory_space<vmem_shared>> -> memref<624x128xf32, #tpu.memory_space<vmem_shared>>
      %dma_start3A_88 = arith.constant 0 : i32
      %dma_start3A_89 = tpu.memref_slice %arg5[%mul3A_2, %dma_start3A_88] : memref<10000x128xf32, #tpu.memory_space<hbm>> -> memref<624x128xf32, #tpu.memory_space<hbm>>
      tpu.enqueue_dma source(%dma_start3A_89 : memref<624x128xf32, #tpu.memory_space<hbm>>) target(%dma_start3A_87 : memref<624x128xf32, #tpu.memory_space<vmem_shared>>) target_semaphore(%run_scoped3A : memref<!tpu.dma_semaphore, #tpu.memory_space<semaphore_mem>>)
      %dma_wait3A_90 = arith.constant 0 : i32
      %dma_wait3A_91 = tpu.memref_slice %arg11[%mul3A_2, %dma_wait3A_90] : memref<10000x128xf32, #tpu.memory_space<vmem_shared>> -> memref<624x128xf32, #tpu.memory_space<vmem_shared>>
      %dma_wait3A_92 = arith.constant 0 : i32
      %dma_wait3A_93 = tpu.memref_slice %arg5[%mul3A_2, %dma_wait3A_92] : memref<10000x128xf32, #tpu.memory_space<hbm>> -> memref<624x128xf32, #tpu.memory_space<hbm>>
      tpu.wait_dma2 semaphore(%run_scoped3A : memref<!tpu.dma_semaphore, #tpu.memory_space<semaphore_mem>>) src(%dma_wait3A_93 : memref<624x128xf32, #tpu.memory_space<hbm>>) dst(%dma_wait3A_91 : memref<624x128xf32, #tpu.memory_space<vmem_shared>>)
      tpu.yield
    }) : () -> ()
    %eq3A = arith.constant 0 : i32
    %eq3A_3 = arith.cmpi eq, %arg1, %eq3A : i32
    %convert_element_type3A = arith.extui %eq3A_3 : i1 to i32
    %cond3A = arith.constant 0 : i32
    %cond3A_4 = arith.cmpi ne, %convert_element_type3A, %cond3A : i32
    scf.if %cond3A_4 {
      "tpu.region"() ({
        %run_scoped3A = tpu.sem_alloc : memref<!tpu.dma_semaphore, #tpu.memory_space<semaphore_mem>>
        %dma_start3A_86 = arith.constant 9984 : i32
        %dma_start3A_87 = arith.constant 0 : i32
        %dma_start3A_88 = tpu.memref_slice %arg11[%dma_start3A_86, %dma_start3A_87] : memref<10000x128xf32, #tpu.memory_space<vmem_shared>> -> memref<16x128xf32, #tpu.memory_space<vmem_shared>>
        %dma_start3A_89 = arith.constant 9984 : i32
        %dma_start3A_90 = arith.constant 0 : i32
        %dma_start3A_91 = tpu.memref_slice %arg5[%dma_start3A_89, %dma_start3A_90] : memref<10000x128xf32, #tpu.memory_space<hbm>> -> memref<16x128xf32, #tpu.memory_space<hbm>>
        tpu.enqueue_dma source(%dma_start3A_91 : memref<16x128xf32, #tpu.memory_space<hbm>>) target(%dma_start3A_88 : memref<16x128xf32, #tpu.memory_space<vmem_shared>>) target_semaphore(%run_scoped3A : memref<!tpu.dma_semaphore, #tpu.memory_space<semaphore_mem>>)
        %dma_wait3A_92 = arith.constant 9984 : i32
        %dma_wait3A_93 = arith.constant 0 : i32
        %dma_wait3A_94 = tpu.memref_slice %arg11[%dma_wait3A_92, %dma_wait3A_93] : memref<10000x128xf32, #tpu.memory_space<vmem_shared>> -> memref<16x128xf32, #tpu.memory_space<vmem_shared>>
        %dma_wait3A_95 = arith.constant 9984 : i32
        %dma_wait3A_96 = arith.constant 0 : i32
        %dma_wait3A_97 = tpu.memref_slice %arg5[%dma_wait3A_95, %dma_wait3A_96] : memref<10000x128xf32, #tpu.memory_space<hbm>> -> memref<16x128xf32, #tpu.memory_space<hbm>>
        tpu.wait_dma2 semaphore(%run_scoped3A : memref<!tpu.dma_semaphore, #tpu.memory_space<semaphore_mem>>) src(%dma_wait3A_97 : memref<16x128xf32, #tpu.memory_space<hbm>>) dst(%dma_wait3A_94 : memref<16x128xf32, #tpu.memory_space<vmem_shared>>)
        tpu.yield
      }) : () -> ()
    } else {
    }
    "tpu.region"() ({
      %run_scoped3A = tpu.sem_alloc : memref<!tpu.dma_semaphore, #tpu.memory_space<semaphore_mem>>
      %dma_start3A_86 = arith.constant 0 : i32
      %dma_start3A_87 = tpu.memref_slice %arg2[%add3A, %dma_start3A_86] : memref<32x10000xi32, #tpu.memory_space<hbm>> -> memref<1x10000xi32, #tpu.memory_space<hbm>>
      %dma_start3A_88 = tpu.memref_squeeze %dma_start3A_87 : memref<1x10000xi32, #tpu.memory_space<hbm>> -> memref<10000xi32, #tpu.memory_space<hbm>>
      %dma_start3A_89 = arith.constant 0 : i32
      %dma_start3A_90 = tpu.memref_slice %arg2[%add3A, %dma_start3A_89] : memref<32x10000xi32, #tpu.memory_space<hbm>> -> memref<1x10000xi32, #tpu.memory_space<hbm>>
      %dma_start3A_91 = tpu.memref_squeeze %dma_start3A_90 : memref<1x10000xi32, #tpu.memory_space<hbm>> -> memref<10000xi32, #tpu.memory_space<hbm>>
      tpu.enqueue_dma source(%dma_start3A_91 : memref<10000xi32, #tpu.memory_space<hbm>>) target(%arg7 : memref<10000xi32, #tpu.memory_space<vmem>>) target_semaphore(%run_scoped3A : memref<!tpu.dma_semaphore, #tpu.memory_space<semaphore_mem>>)
      %dma_wait3A_92 = arith.constant 0 : i32
      %dma_wait3A_93 = tpu.memref_slice %arg2[%add3A, %dma_wait3A_92] : memref<32x10000xi32, #tpu.memory_space<hbm>> -> memref<1x10000xi32, #tpu.memory_space<hbm>>
      %dma_wait3A_94 = tpu.memref_squeeze %dma_wait3A_93 : memref<1x10000xi32, #tpu.memory_space<hbm>> -> memref<10000xi32, #tpu.memory_space<hbm>>
      %dma_wait3A_95 = arith.constant 0 : i32
      %dma_wait3A_96 = tpu.memref_slice %arg2[%add3A, %dma_wait3A_95] : memref<32x10000xi32, #tpu.memory_space<hbm>> -> memref<1x10000xi32, #tpu.memory_space<hbm>>
      %dma_wait3A_97 = tpu.memref_squeeze %dma_wait3A_96 : memref<1x10000xi32, #tpu.memory_space<hbm>> -> memref<10000xi32, #tpu.memory_space<hbm>>
      tpu.wait_dma2 semaphore(%run_scoped3A : memref<!tpu.dma_semaphore, #tpu.memory_space<semaphore_mem>>) src(%dma_wait3A_97 : memref<10000xi32, #tpu.memory_space<hbm>>) dst(%arg7 : memref<10000xi32, #tpu.memory_space<vmem>>)
      tpu.yield
    }) : () -> ()
    "tpu.region"() ({
      %run_scoped3A = tpu.sem_alloc : memref<!tpu.dma_semaphore, #tpu.memory_space<semaphore_mem>>
      %dma_start3A_86 = arith.constant 0 : i32
      %dma_start3A_87 = arith.constant 0 : i32
      %dma_start3A_88 = tpu.memref_slice %arg3[%add3A, %dma_start3A_86, %dma_start3A_87] : memref<32x125x80xi32, #tpu.memory_space<hbm>> -> memref<1x125x80xi32, #tpu.memory_space<hbm>>
      %dma_start3A_89 = tpu.memref_squeeze %dma_start3A_88 : memref<1x125x80xi32, #tpu.memory_space<hbm>> -> memref<125x80xi32, #tpu.memory_space<hbm>>
      %dma_start3A_90 = arith.constant 0 : i32
      %dma_start3A_91 = arith.constant 0 : i32
      %dma_start3A_92 = tpu.memref_slice %arg3[%add3A, %dma_start3A_90, %dma_start3A_91] : memref<32x125x80xi32, #tpu.memory_space<hbm>> -> memref<1x125x80xi32, #tpu.memory_space<hbm>>
      %dma_start3A_93 = tpu.memref_squeeze %dma_start3A_92 : memref<1x125x80xi32, #tpu.memory_space<hbm>> -> memref<125x80xi32, #tpu.memory_space<hbm>>
      tpu.enqueue_dma source(%dma_start3A_93 : memref<125x80xi32, #tpu.memory_space<hbm>>) target(%arg8 : memref<125x80xi32, #tpu.memory_space<vmem>>) target_semaphore(%run_scoped3A : memref<!tpu.dma_semaphore, #tpu.memory_space<semaphore_mem>>)
      %dma_wait3A_94 = arith.constant 0 : i32
      %dma_wait3A_95 = arith.constant 0 : i32
      %dma_wait3A_96 = tpu.memref_slice %arg3[%add3A, %dma_wait3A_94, %dma_wait3A_95] : memref<32x125x80xi32, #tpu.memory_space<hbm>> -> memref<1x125x80xi32, #tpu.memory_space<hbm>>
      %dma_wait3A_97 = tpu.memref_squeeze %dma_wait3A_96 : memref<1x125x80xi32, #tpu.memory_space<hbm>> -> memref<125x80xi32, #tpu.memory_space<hbm>>
      %dma_wait3A_98 = arith.constant 0 : i32
      %dma_wait3A_99 = arith.constant 0 : i32
      %dma_wait3A_100 = tpu.memref_slice %arg3[%add3A, %dma_wait3A_98, %dma_wait3A_99] : memref<32x125x80xi32, #tpu.memory_space<hbm>> -> memref<1x125x80xi32, #tpu.memory_space<hbm>>
      %dma_wait3A_101 = tpu.memref_squeeze %dma_wait3A_100 : memref<1x125x80xi32, #tpu.memory_space<hbm>> -> memref<125x80xi32, #tpu.memory_space<hbm>>
      tpu.wait_dma2 semaphore(%run_scoped3A : memref<!tpu.dma_semaphore, #tpu.memory_space<semaphore_mem>>) src(%dma_wait3A_101 : memref<125x80xi32, #tpu.memory_space<hbm>>) dst(%arg8 : memref<125x80xi32, #tpu.memory_space<vmem>>)
      tpu.yield
    }) : () -> ()
    %barrier3A = arith.constant 0 : index
    tpu.barrier barrier_id(%barrier3A)
    %dma_start3A = arith.constant 0 : i32
    %dma_start3A_5 = tpu.memref_slice %arg7[%dma_start3A] : memref<10000xi32, #tpu.memory_space<vmem>> -> memref<80xi32, #tpu.memory_space<vmem>>
    %dma_start3A_6 = arith.constant 0 : i32
    %dma_start3A_7 = arith.constant 0 : i32
    %dma_start3A_8 = tpu.memref_slice %arg4[%dma_start3A_6, %dma_start3A_7] : memref<10000x128xf32, #tpu.memory_space<hbm>> -> memref<10000x128xf32, #tpu.memory_space<hbm>>
    tpu.enqueue_indirect_dma source(%dma_start3A_8 : memref<10000x128xf32, #tpu.memory_space<hbm>>) target(%arg9 : memref<80x128xf32, #tpu.memory_space<vmem>>) offsets(%dma_start3A_5 : memref<80xi32, #tpu.memory_space<vmem>>) semaphore(%arg12 : memref<!tpu.dma_semaphore, #tpu.memory_space<semaphore_mem>>)
    %dma_wait3A = arith.constant 0 : i32
    %dma_wait3A_9 = tpu.memref_slice %arg7[%dma_wait3A] : memref<10000xi32, #tpu.memory_space<vmem>> -> memref<80xi32, #tpu.memory_space<vmem>>
    %dma_wait3A_10 = arith.constant 0 : i32
    %dma_wait3A_11 = arith.constant 0 : i32
    %dma_wait3A_12 = tpu.memref_slice %arg4[%dma_wait3A_10, %dma_wait3A_11] : memref<10000x128xf32, #tpu.memory_space<hbm>> -> memref<10000x128xf32, #tpu.memory_space<hbm>>
    tpu.wait_indirect_dma semaphore(%arg12 : memref<!tpu.dma_semaphore, #tpu.memory_space<semaphore_mem>>) src(%dma_wait3A_12 : memref<10000x128xf32, #tpu.memory_space<hbm>>) dst(%arg9 : memref<80x128xf32, #tpu.memory_space<vmem>>)
    %dma_start3A_13 = arith.constant 80 : i32
    %dma_start3A_14 = tpu.memref_slice %arg7[%dma_start3A_13] : memref<10000xi32, #tpu.memory_space<vmem>> -> memref<80xi32, #tpu.memory_space<vmem>>
    %dma_start3A_15 = arith.constant 0 : i32
    %dma_start3A_16 = arith.constant 0 : i32
    %dma_start3A_17 = tpu.memref_slice %arg4[%dma_start3A_15, %dma_start3A_16] : memref<10000x128xf32, #tpu.memory_space<hbm>> -> memref<10000x128xf32, #tpu.memory_space<hbm>>
    tpu.enqueue_indirect_dma source(%dma_start3A_17 : memref<10000x128xf32, #tpu.memory_space<hbm>>) target(%arg10 : memref<80x128xf32, #tpu.memory_space<vmem>>) offsets(%dma_start3A_14 : memref<80xi32, #tpu.memory_space<vmem>>) semaphore(%arg13 : memref<!tpu.dma_semaphore, #tpu.memory_space<semaphore_mem>>)
    %dma_start3A_18 = arith.constant 0 : i32
    %dma_start3A_19 = arith.constant 0 : i32
    %dma_start3A_20 = tpu.memref_slice %arg8[%dma_start3A_18, %dma_start3A_19] : memref<125x80xi32, #tpu.memory_space<vmem>> -> memref<1x80xi32, #tpu.memory_space<vmem>>
    %dma_start3A_21 = tpu.memref_squeeze %dma_start3A_20 : memref<1x80xi32, #tpu.memory_space<vmem>> -> memref<80xi32, #tpu.memory_space<vmem>>
    %dma_start3A_22 = arith.constant 0 : i32
    %dma_start3A_23 = arith.constant 0 : i32
    %dma_start3A_24 = tpu.memref_slice %arg11[%dma_start3A_22, %dma_start3A_23] : memref<10000x128xf32, #tpu.memory_space<vmem_shared>> -> memref<10000x128xf32, #tpu.memory_space<vmem_shared>>
    tpu.enqueue_indirect_dma source(%arg9 : memref<80x128xf32, #tpu.memory_space<vmem>>) target(%dma_start3A_24 : memref<10000x128xf32, #tpu.memory_space<vmem_shared>>) offsets(%dma_start3A_21 : memref<80xi32, #tpu.memory_space<vmem>>) semaphore(%arg14 : memref<!tpu.dma_semaphore, #tpu.memory_space<semaphore_mem>>) {add = true}
    %scan3A = arith.constant 0 : i32
    %scan3A_25 = arith.constant 0 : i32
    %scan3A_26 = arith.constant 61 : i32
    %scan3A_27 = arith.addi %scan3A_25, %scan3A_26 : i32
    %scan3A_28 = arith.constant 1 : i32
    scf.for %scan3A_86 = %scan3A_25 to %scan3A_27 step %scan3A_28  : i32 {
      %mul3A_87 = arith.constant 2 : i32
      %mul3A_88 = arith.muli %mul3A_87, %scan3A_86 : i32
      %add3A_89 = arith.constant 1 : i32
      %add3A_90 = arith.addi %mul3A_88, %add3A_89 : i32
      %dma_wait3A_91 = arith.constant 0 : i32
      %dma_wait3A_92 = tpu.memref_slice %arg7[%dma_wait3A_91] : memref<10000xi32, #tpu.memory_space<vmem>> -> memref<80xi32, #tpu.memory_space<vmem>>
      %dma_wait3A_93 = arith.constant 0 : i32
      %dma_wait3A_94 = arith.constant 0 : i32
      %dma_wait3A_95 = tpu.memref_slice %arg4[%dma_wait3A_93, %dma_wait3A_94] : memref<10000x128xf32, #tpu.memory_space<hbm>> -> memref<10000x128xf32, #tpu.memory_space<hbm>>
      tpu.wait_indirect_dma semaphore(%arg13 : memref<!tpu.dma_semaphore, #tpu.memory_space<semaphore_mem>>) src(%dma_wait3A_95 : memref<10000x128xf32, #tpu.memory_space<hbm>>) dst(%arg10 : memref<80x128xf32, #tpu.memory_space<vmem>>)
      %dma_wait3A_96 = arith.constant 0 : i32
      %dma_wait3A_97 = tpu.memref_slice %arg8[%add3A_90, %dma_wait3A_96] : memref<125x80xi32, #tpu.memory_space<vmem>> -> memref<1x80xi32, #tpu.memory_space<vmem>>
      %dma_wait3A_98 = tpu.memref_squeeze %dma_wait3A_97 : memref<1x80xi32, #tpu.memory_space<vmem>> -> memref<80xi32, #tpu.memory_space<vmem>>
      %dma_wait3A_99 = arith.constant 0 : i32
      %dma_wait3A_100 = arith.constant 0 : i32
      %dma_wait3A_101 = tpu.memref_slice %arg11[%dma_wait3A_99, %dma_wait3A_100] : memref<10000x128xf32, #tpu.memory_space<vmem_shared>> -> memref<10000x128xf32, #tpu.memory_space<vmem_shared>>
      tpu.wait_indirect_dma semaphore(%arg14 : memref<!tpu.dma_semaphore, #tpu.memory_space<semaphore_mem>>) src(%arg9 : memref<80x128xf32, #tpu.memory_space<vmem>>) dst(%dma_wait3A_101 : memref<10000x128xf32, #tpu.memory_space<vmem_shared>>)
      %add3A_102 = arith.constant 1 : i32
      %add3A_103 = arith.addi %add3A_90, %add3A_102 : i32
      %mul3A_104 = arith.constant 80 : i32
      %mul3A_105 = arith.muli %add3A_103, %mul3A_104 : i32
      %dma_start3A_106 = tpu.memref_slice %arg7[%mul3A_105] : memref<10000xi32, #tpu.memory_space<vmem>> -> memref<80xi32, #tpu.memory_space<vmem>>
      %dma_start3A_107 = arith.constant 0 : i32
      %dma_start3A_108 = arith.constant 0 : i32
      %dma_start3A_109 = tpu.memref_slice %arg4[%dma_start3A_107, %dma_start3A_108] : memref<10000x128xf32, #tpu.memory_space<hbm>> -> memref<10000x128xf32, #tpu.memory_space<hbm>>
      tpu.enqueue_indirect_dma source(%dma_start3A_109 : memref<10000x128xf32, #tpu.memory_space<hbm>>) target(%arg9 : memref<80x128xf32, #tpu.memory_space<vmem>>) offsets(%dma_start3A_106 : memref<80xi32, #tpu.memory_space<vmem>>) semaphore(%arg12 : memref<!tpu.dma_semaphore, #tpu.memory_space<semaphore_mem>>)
      %dma_start3A_110 = arith.constant 0 : i32
      %dma_start3A_111 = tpu.memref_slice %arg8[%add3A_90, %dma_start3A_110] : memref<125x80xi32, #tpu.memory_space<vmem>> -> memref<1x80xi32, #tpu.memory_space<vmem>>
      %dma_start3A_112 = tpu.memref_squeeze %dma_start3A_111 : memref<1x80xi32, #tpu.memory_space<vmem>> -> memref<80xi32, #tpu.memory_space<vmem>>
      %dma_start3A_113 = arith.constant 0 : i32
      %dma_start3A_114 = arith.constant 0 : i32
      %dma_start3A_115 = tpu.memref_slice %arg11[%dma_start3A_113, %dma_start3A_114] : memref<10000x128xf32, #tpu.memory_space<vmem_shared>> -> memref<10000x128xf32, #tpu.memory_space<vmem_shared>>
      tpu.enqueue_indirect_dma source(%arg10 : memref<80x128xf32, #tpu.memory_space<vmem>>) target(%dma_start3A_115 : memref<10000x128xf32, #tpu.memory_space<vmem_shared>>) offsets(%dma_start3A_112 : memref<80xi32, #tpu.memory_space<vmem>>) semaphore(%arg15 : memref<!tpu.dma_semaphore, #tpu.memory_space<semaphore_mem>>) {add = true}
      %add3A_116 = arith.constant 1 : i32
      %add3A_117 = arith.addi %add3A_90, %add3A_116 : i32
      %dma_wait3A_118 = arith.constant 0 : i32
      %dma_wait3A_119 = tpu.memref_slice %arg7[%dma_wait3A_118] : memref<10000xi32, #tpu.memory_space<vmem>> -> memref<80xi32, #tpu.memory_space<vmem>>
      %dma_wait3A_120 = arith.constant 0 : i32
      %dma_wait3A_121 = arith.constant 0 : i32
      %dma_wait3A_122 = tpu.memref_slice %arg4[%dma_wait3A_120, %dma_wait3A_121] : memref<10000x128xf32, #tpu.memory_space<hbm>> -> memref<10000x128xf32, #tpu.memory_space<hbm>>
      tpu.wait_indirect_dma semaphore(%arg12 : memref<!tpu.dma_semaphore, #tpu.memory_space<semaphore_mem>>) src(%dma_wait3A_122 : memref<10000x128xf32, #tpu.memory_space<hbm>>) dst(%arg9 : memref<80x128xf32, #tpu.memory_space<vmem>>)
      %dma_wait3A_123 = arith.constant 0 : i32
      %dma_wait3A_124 = tpu.memref_slice %arg8[%add3A_117, %dma_wait3A_123] : memref<125x80xi32, #tpu.memory_space<vmem>> -> memref<1x80xi32, #tpu.memory_space<vmem>>
      %dma_wait3A_125 = tpu.memref_squeeze %dma_wait3A_124 : memref<1x80xi32, #tpu.memory_space<vmem>> -> memref<80xi32, #tpu.memory_space<vmem>>
      %dma_wait3A_126 = arith.constant 0 : i32
      %dma_wait3A_127 = arith.constant 0 : i32
      %dma_wait3A_128 = tpu.memref_slice %arg11[%dma_wait3A_126, %dma_wait3A_127] : memref<10000x128xf32, #tpu.memory_space<vmem_shared>> -> memref<10000x128xf32, #tpu.memory_space<vmem_shared>>
      tpu.wait_indirect_dma semaphore(%arg15 : memref<!tpu.dma_semaphore, #tpu.memory_space<semaphore_mem>>) src(%arg10 : memref<80x128xf32, #tpu.memory_space<vmem>>) dst(%dma_wait3A_128 : memref<10000x128xf32, #tpu.memory_space<vmem_shared>>)
      %add3A_129 = arith.constant 1 : i32
      %add3A_130 = arith.addi %add3A_117, %add3A_129 : i32
      %mul3A_131 = arith.constant 80 : i32
      %mul3A_132 = arith.muli %add3A_130, %mul3A_131 : i32
      %dma_start3A_133 = tpu.memref_slice %arg7[%mul3A_132] : memref<10000xi32, #tpu.memory_space<vmem>> -> memref<80xi32, #tpu.memory_space<vmem>>
      %dma_start3A_134 = arith.constant 0 : i32
      %dma_start3A_135 = arith.constant 0 : i32
      %dma_start3A_136 = tpu.memref_slice %arg4[%dma_start3A_134, %dma_start3A_135] : memref<10000x128xf32, #tpu.memory_space<hbm>> -> memref<10000x128xf32, #tpu.memory_space<hbm>>
      tpu.enqueue_indirect_dma source(%dma_start3A_136 : memref<10000x128xf32, #tpu.memory_space<hbm>>) target(%arg10 : memref<80x128xf32, #tpu.memory_space<vmem>>) offsets(%dma_start3A_133 : memref<80xi32, #tpu.memory_space<vmem>>) semaphore(%arg13 : memref<!tpu.dma_semaphore, #tpu.memory_space<semaphore_mem>>)
      %dma_start3A_137 = arith.constant 0 : i32
      %dma_start3A_138 = tpu.memref_slice %arg8[%add3A_117, %dma_start3A_137] : memref<125x80xi32, #tpu.memory_space<vmem>> -> memref<1x80xi32, #tpu.memory_space<vmem>>
      %dma_start3A_139 = tpu.memref_squeeze %dma_start3A_138 : memref<1x80xi32, #tpu.memory_space<vmem>> -> memref<80xi32, #tpu.memory_space<vmem>>
      %dma_start3A_140 = arith.constant 0 : i32
      %dma_start3A_141 = arith.constant 0 : i32
      %dma_start3A_142 = tpu.memref_slice %arg11[%dma_start3A_140, %dma_start3A_141] : memref<10000x128xf32, #tpu.memory_space<vmem_shared>> -> memref<10000x128xf32, #tpu.memory_space<vmem_shared>>
      tpu.enqueue_indirect_dma source(%arg9 : memref<80x128xf32, #tpu.memory_space<vmem>>) target(%dma_start3A_142 : memref<10000x128xf32, #tpu.memory_space<vmem_shared>>) offsets(%dma_start3A_139 : memref<80xi32, #tpu.memory_space<vmem>>) semaphore(%arg14 : memref<!tpu.dma_semaphore, #tpu.memory_space<semaphore_mem>>) {add = true}
    }
    %scan3A_29 = arith.constant 61 : i32
    %dma_wait3A_30 = arith.constant 0 : i32
    %dma_wait3A_31 = tpu.memref_slice %arg7[%dma_wait3A_30] : memref<10000xi32, #tpu.memory_space<vmem>> -> memref<80xi32, #tpu.memory_space<vmem>>
    %dma_wait3A_32 = arith.constant 0 : i32
    %dma_wait3A_33 = arith.constant 0 : i32
    %dma_wait3A_34 = tpu.memref_slice %arg4[%dma_wait3A_32, %dma_wait3A_33] : memref<10000x128xf32, #tpu.memory_space<hbm>> -> memref<10000x128xf32, #tpu.memory_space<hbm>>
    tpu.wait_indirect_dma semaphore(%arg13 : memref<!tpu.dma_semaphore, #tpu.memory_space<semaphore_mem>>) src(%dma_wait3A_34 : memref<10000x128xf32, #tpu.memory_space<hbm>>) dst(%arg10 : memref<80x128xf32, #tpu.memory_space<vmem>>)
    %dma_wait3A_35 = arith.constant 123 : i32
    %dma_wait3A_36 = arith.constant 0 : i32
    %dma_wait3A_37 = tpu.memref_slice %arg8[%dma_wait3A_35, %dma_wait3A_36] : memref<125x80xi32, #tpu.memory_space<vmem>> -> memref<1x80xi32, #tpu.memory_space<vmem>>
    %dma_wait3A_38 = tpu.memref_squeeze %dma_wait3A_37 : memref<1x80xi32, #tpu.memory_space<vmem>> -> memref<80xi32, #tpu.memory_space<vmem>>
    %dma_wait3A_39 = arith.constant 0 : i32
    %dma_wait3A_40 = arith.constant 0 : i32
    %dma_wait3A_41 = tpu.memref_slice %arg11[%dma_wait3A_39, %dma_wait3A_40] : memref<10000x128xf32, #tpu.memory_space<vmem_shared>> -> memref<10000x128xf32, #tpu.memory_space<vmem_shared>>
    tpu.wait_indirect_dma semaphore(%arg14 : memref<!tpu.dma_semaphore, #tpu.memory_space<semaphore_mem>>) src(%arg9 : memref<80x128xf32, #tpu.memory_space<vmem>>) dst(%dma_wait3A_41 : memref<10000x128xf32, #tpu.memory_space<vmem_shared>>)
    %dma_start3A_42 = arith.constant 9920 : i32
    %dma_start3A_43 = tpu.memref_slice %arg7[%dma_start3A_42] : memref<10000xi32, #tpu.memory_space<vmem>> -> memref<80xi32, #tpu.memory_space<vmem>>
    %dma_start3A_44 = arith.constant 0 : i32
    %dma_start3A_45 = arith.constant 0 : i32
    %dma_start3A_46 = tpu.memref_slice %arg4[%dma_start3A_44, %dma_start3A_45] : memref<10000x128xf32, #tpu.memory_space<hbm>> -> memref<10000x128xf32, #tpu.memory_space<hbm>>
    tpu.enqueue_indirect_dma source(%dma_start3A_46 : memref<10000x128xf32, #tpu.memory_space<hbm>>) target(%arg9 : memref<80x128xf32, #tpu.memory_space<vmem>>) offsets(%dma_start3A_43 : memref<80xi32, #tpu.memory_space<vmem>>) semaphore(%arg12 : memref<!tpu.dma_semaphore, #tpu.memory_space<semaphore_mem>>)
    %dma_start3A_47 = arith.constant 123 : i32
    %dma_start3A_48 = arith.constant 0 : i32
    %dma_start3A_49 = tpu.memref_slice %arg8[%dma_start3A_47, %dma_start3A_48] : memref<125x80xi32, #tpu.memory_space<vmem>> -> memref<1x80xi32, #tpu.memory_space<vmem>>
    %dma_start3A_50 = tpu.memref_squeeze %dma_start3A_49 : memref<1x80xi32, #tpu.memory_space<vmem>> -> memref<80xi32, #tpu.memory_space<vmem>>
    %dma_start3A_51 = arith.constant 0 : i32
    %dma_start3A_52 = arith.constant 0 : i32
    %dma_start3A_53 = tpu.memref_slice %arg11[%dma_start3A_51, %dma_start3A_52] : memref<10000x128xf32, #tpu.memory_space<vmem_shared>> -> memref<10000x128xf32, #tpu.memory_space<vmem_shared>>
    tpu.enqueue_indirect_dma source(%arg10 : memref<80x128xf32, #tpu.memory_space<vmem>>) target(%dma_start3A_53 : memref<10000x128xf32, #tpu.memory_space<vmem_shared>>) offsets(%dma_start3A_50 : memref<80xi32, #tpu.memory_space<vmem>>) semaphore(%arg15 : memref<!tpu.dma_semaphore, #tpu.memory_space<semaphore_mem>>) {add = true}
    %dma_wait3A_54 = arith.constant 0 : i32
    %dma_wait3A_55 = tpu.memref_slice %arg7[%dma_wait3A_54] : memref<10000xi32, #tpu.memory_space<vmem>> -> memref<80xi32, #tpu.memory_space<vmem>>
    %dma_wait3A_56 = arith.constant 0 : i32
    %dma_wait3A_57 = arith.constant 0 : i32
    %dma_wait3A_58 = tpu.memref_slice %arg4[%dma_wait3A_56, %dma_wait3A_57] : memref<10000x128xf32, #tpu.memory_space<hbm>> -> memref<10000x128xf32, #tpu.memory_space<hbm>>
    tpu.wait_indirect_dma semaphore(%arg12 : memref<!tpu.dma_semaphore, #tpu.memory_space<semaphore_mem>>) src(%dma_wait3A_58 : memref<10000x128xf32, #tpu.memory_space<hbm>>) dst(%arg9 : memref<80x128xf32, #tpu.memory_space<vmem>>)
    %dma_wait3A_59 = arith.constant 124 : i32
    %dma_wait3A_60 = arith.constant 0 : i32
    %dma_wait3A_61 = tpu.memref_slice %arg8[%dma_wait3A_59, %dma_wait3A_60] : memref<125x80xi32, #tpu.memory_space<vmem>> -> memref<1x80xi32, #tpu.memory_space<vmem>>
    %dma_wait3A_62 = tpu.memref_squeeze %dma_wait3A_61 : memref<1x80xi32, #tpu.memory_space<vmem>> -> memref<80xi32, #tpu.memory_space<vmem>>
    %dma_wait3A_63 = arith.constant 0 : i32
    %dma_wait3A_64 = arith.constant 0 : i32
    %dma_wait3A_65 = tpu.memref_slice %arg11[%dma_wait3A_63, %dma_wait3A_64] : memref<10000x128xf32, #tpu.memory_space<vmem_shared>> -> memref<10000x128xf32, #tpu.memory_space<vmem_shared>>
    tpu.wait_indirect_dma semaphore(%arg15 : memref<!tpu.dma_semaphore, #tpu.memory_space<semaphore_mem>>) src(%arg10 : memref<80x128xf32, #tpu.memory_space<vmem>>) dst(%dma_wait3A_65 : memref<10000x128xf32, #tpu.memory_space<vmem_shared>>)
    %dma_start3A_66 = arith.constant 124 : i32
    %dma_start3A_67 = arith.constant 0 : i32
    %dma_start3A_68 = tpu.memref_slice %arg8[%dma_start3A_66, %dma_start3A_67] : memref<125x80xi32, #tpu.memory_space<vmem>> -> memref<1x80xi32, #tpu.memory_space<vmem>>
    %dma_start3A_69 = tpu.memref_squeeze %dma_start3A_68 : memref<1x80xi32, #tpu.memory_space<vmem>> -> memref<80xi32, #tpu.memory_space<vmem>>
    %dma_start3A_70 = arith.constant 0 : i32
    %dma_start3A_71 = arith.constant 0 : i32
    %dma_start3A_72 = tpu.memref_slice %arg11[%dma_start3A_70, %dma_start3A_71] : memref<10000x128xf32, #tpu.memory_space<vmem_shared>> -> memref<10000x128xf32, #tpu.memory_space<vmem_shared>>
    tpu.enqueue_indirect_dma source(%arg9 : memref<80x128xf32, #tpu.memory_space<vmem>>) target(%dma_start3A_72 : memref<10000x128xf32, #tpu.memory_space<vmem_shared>>) offsets(%dma_start3A_69 : memref<80xi32, #tpu.memory_space<vmem>>) semaphore(%arg14 : memref<!tpu.dma_semaphore, #tpu.memory_space<semaphore_mem>>) {add = true}
    %dma_wait3A_73 = arith.constant 0 : i32
    %dma_wait3A_74 = arith.constant 0 : i32
    %dma_wait3A_75 = tpu.memref_slice %arg8[%dma_wait3A_73, %dma_wait3A_74] : memref<125x80xi32, #tpu.memory_space<vmem>> -> memref<1x80xi32, #tpu.memory_space<vmem>>
    %dma_wait3A_76 = tpu.memref_squeeze %dma_wait3A_75 : memref<1x80xi32, #tpu.memory_space<vmem>> -> memref<80xi32, #tpu.memory_space<vmem>>
    %dma_wait3A_77 = arith.constant 0 : i32
    %dma_wait3A_78 = arith.constant 0 : i32
    %dma_wait3A_79 = tpu.memref_slice %arg11[%dma_wait3A_77, %dma_wait3A_78] : memref<10000x128xf32, #tpu.memory_space<vmem_shared>> -> memref<10000x128xf32, #tpu.memory_space<vmem_shared>>
    tpu.wait_indirect_dma semaphore(%arg14 : memref<!tpu.dma_semaphore, #tpu.memory_space<semaphore_mem>>) src(%arg9 : memref<80x128xf32, #tpu.memory_space<vmem>>) dst(%dma_wait3A_79 : memref<10000x128xf32, #tpu.memory_space<vmem_shared>>)
    %barrier3A_80 = arith.constant 0 : index
    tpu.barrier barrier_id(%barrier3A_80)
    "tpu.region"() ({
      %run_scoped3A = tpu.sem_alloc : memref<!tpu.dma_semaphore, #tpu.memory_space<semaphore_mem>>
      %dma_start3A_86 = arith.constant 0 : i32
      %dma_start3A_87 = tpu.memref_slice %arg6[%arg0, %mul3A_2, %dma_start3A_86] : memref<2x10000x128xf32, #tpu.memory_space<hbm>> -> memref<1x624x128xf32, #tpu.memory_space<hbm>>
      %dma_start3A_88 = tpu.memref_squeeze %dma_start3A_87 : memref<1x624x128xf32, #tpu.memory_space<hbm>> -> memref<624x128xf32, #tpu.memory_space<hbm>>
      %dma_start3A_89 = arith.constant 0 : i32
      %dma_start3A_90 = tpu.memref_slice %arg11[%mul3A_2, %dma_start3A_89] : memref<10000x128xf32, #tpu.memory_space<vmem_shared>> -> memref<624x128xf32, #tpu.memory_space<vmem_shared>>
      tpu.enqueue_dma source(%dma_start3A_90 : memref<624x128xf32, #tpu.memory_space<vmem_shared>>) target(%dma_start3A_88 : memref<624x128xf32, #tpu.memory_space<hbm>>) target_semaphore(%run_scoped3A : memref<!tpu.dma_semaphore, #tpu.memory_space<semaphore_mem>>)
      %dma_wait3A_91 = arith.constant 0 : i32
      %dma_wait3A_92 = tpu.memref_slice %arg6[%arg0, %mul3A_2, %dma_wait3A_91] : memref<2x10000x128xf32, #tpu.memory_space<hbm>> -> memref<1x624x128xf32, #tpu.memory_space<hbm>>
      %dma_wait3A_93 = tpu.memref_squeeze %dma_wait3A_92 : memref<1x624x128xf32, #tpu.memory_space<hbm>> -> memref<624x128xf32, #tpu.memory_space<hbm>>
      %dma_wait3A_94 = arith.constant 0 : i32
      %dma_wait3A_95 = tpu.memref_slice %arg11[%mul3A_2, %dma_wait3A_94] : memref<10000x128xf32, #tpu.memory_space<vmem_shared>> -> memref<624x128xf32, #tpu.memory_space<vmem_shared>>
      tpu.wait_dma2 semaphore(%run_scoped3A : memref<!tpu.dma_semaphore, #tpu.memory_space<semaphore_mem>>) src(%dma_wait3A_95 : memref<624x128xf32, #tpu.memory_space<vmem_shared>>) dst(%dma_wait3A_93 : memref<624x128xf32, #tpu.memory_space<hbm>>)
      tpu.yield
    }) : () -> ()
    %eq3A_81 = arith.constant 0 : i32
    %eq3A_82 = arith.cmpi eq, %arg1, %eq3A_81 : i32
    %convert_element_type3A_83 = arith.extui %eq3A_82 : i1 to i32
    %cond3A_84 = arith.constant 0 : i32
    %cond3A_85 = arith.cmpi ne, %convert_element_type3A_83, %cond3A_84 : i32
    scf.if %cond3A_85 {
      "tpu.region"() ({
        %run_scoped3A = tpu.sem_alloc : memref<!tpu.dma_semaphore, #tpu.memory_space<semaphore_mem>>
        %dma_start3A_86 = arith.constant 9984 : i32
        %dma_start3A_87 = arith.constant 0 : i32
        %dma_start3A_88 = tpu.memref_slice %arg6[%arg0, %dma_start3A_86, %dma_start3A_87] : memref<2x10000x128xf32, #tpu.memory_space<hbm>> -> memref<1x16x128xf32, #tpu.memory_space<hbm>>
        %dma_start3A_89 = tpu.memref_squeeze %dma_start3A_88 : memref<1x16x128xf32, #tpu.memory_space<hbm>> -> memref<16x128xf32, #tpu.memory_space<hbm>>
        %dma_start3A_90 = arith.constant 9984 : i32
        %dma_start3A_91 = arith.constant 0 : i32
        %dma_start3A_92 = tpu.memref_slice %arg11[%dma_start3A_90, %dma_start3A_91] : memref<10000x128xf32, #tpu.memory_space<vmem_shared>> -> memref<16x128xf32, #tpu.memory_space<vmem_shared>>
        tpu.enqueue_dma source(%dma_start3A_92 : memref<16x128xf32, #tpu.memory_space<vmem_shared>>) target(%dma_start3A_89 : memref<16x128xf32, #tpu.memory_space<hbm>>) target_semaphore(%run_scoped3A : memref<!tpu.dma_semaphore, #tpu.memory_space<semaphore_mem>>)
        %dma_wait3A_93 = arith.constant 9984 : i32
        %dma_wait3A_94 = arith.constant 0 : i32
        %dma_wait3A_95 = tpu.memref_slice %arg6[%arg0, %dma_wait3A_93, %dma_wait3A_94] : memref<2x10000x128xf32, #tpu.memory_space<hbm>> -> memref<1x16x128xf32, #tpu.memory_space<hbm>>
        %dma_wait3A_96 = tpu.memref_squeeze %dma_wait3A_95 : memref<1x16x128xf32, #tpu.memory_space<hbm>> -> memref<16x128xf32, #tpu.memory_space<hbm>>
        %dma_wait3A_97 = arith.constant 9984 : i32
        %dma_wait3A_98 = arith.constant 0 : i32
        %dma_wait3A_99 = tpu.memref_slice %arg11[%dma_wait3A_97, %dma_wait3A_98] : memref<10000x128xf32, #tpu.memory_space<vmem_shared>> -> memref<16x128xf32, #tpu.memory_space<vmem_shared>>
        tpu.wait_dma2 semaphore(%run_scoped3A : memref<!tpu.dma_semaphore, #tpu.memory_space<semaphore_mem>>) src(%dma_wait3A_99 : memref<16x128xf32, #tpu.memory_space<vmem_shared>>) dst(%dma_wait3A_96 : memref<16x128xf32, #tpu.memory_space<hbm>>)
        tpu.yield
      }) : () -> ()
    } else {
    }
    return
  }
}

module attributes {stable_mosaic.version = 14 : i64} {
  func.func @_add_body(%arg0: i32, %arg1: memref<1000x128xf32, #tpu.memory_space<vmem>>, %arg2: memref<1000x128xf32, #tpu.memory_space<vmem>>, %arg3: memref<1000x128xf32, #tpu.memory_space<vmem>>) attributes {dimension_semantics = [#tpu.dimension_semantics<arbitrary>], iteration_bounds = array<i64: 10>, scalar_prefetch = 0 : i64, scratch_operands = 0 : i64, tpu.core_type = #tpu.core_type<tc>, window_params = [{transform_indices = @transform_0, window_bounds = array<i64: 1000, 128>}, {transform_indices = @transform_1, window_bounds = array<i64: 1000, 128>}, {transform_indices = @transform_2, window_bounds = array<i64: 1000, 128>}]} {
    %get3A = arith.constant 0 : index
    %get3A_0 = arith.constant 0 : index
    %get3A_1 = vector.load %arg1[%get3A, %get3A_0] : memref<1000x128xf32, #tpu.memory_space<vmem>>, vector<1000x128xf32>
    %get3A_2 = arith.constant 0 : index
    %get3A_3 = arith.constant 0 : index
    %get3A_4 = vector.load %arg2[%get3A_2, %get3A_3] : memref<1000x128xf32, #tpu.memory_space<vmem>>, vector<1000x128xf32>
    %add3A = arith.addf %get3A_1, %get3A_4 : vector<1000x128xf32>
    %swap3A = arith.constant 0 : index
    %swap3A_5 = arith.constant 0 : index
    %swap3A_6 = vector.load %arg3[%swap3A, %swap3A_5] : memref<1000x128xf32, #tpu.memory_space<vmem>>, vector<1000x128xf32>
    tpu.vector_store %arg3[%swap3A, %swap3A_5], %add3A {strides = array<i32>} : memref<1000x128xf32, #tpu.memory_space<vmem>>, vector<1000x128xf32>,
    return
  }
  func.func @transform_0(%arg0: i32) -> (i32, i32) {
    %c0_i32 = arith.constant 0 : i32
    %c0_i32_0 = arith.constant 0 : i32
    return %arg0, %c0_i32 : i32, i32
  }
  func.func @transform_1(%arg0: i32) -> (i32, i32) {
    %c0_i32 = arith.constant 0 : i32
    %c0_i32_0 = arith.constant 0 : i32
    return %arg0, %c0_i32 : i32, i32
  }
  func.func @transform_2(%arg0: i32) -> (i32, i32) {
    %c0_i32 = arith.constant 0 : i32
    %c0_i32_0 = arith.constant 0 : i32
    return %arg0, %c0_i32 : i32, i32
  }
}

</mosaic_0001>

<sc_bundles>
// kernel: kernel.4.cloned.1.call-start
scs
__scs_entry_jumppad:
0x0: {  	(pc) =	sbr.rel $0x88, $3  }
0x1: {  	(tag) =	ssettag $0x0;
	lr =	simm.s32 $0x1  }
0x2: {  	[smem:$0x3F9F] =	sst lr;
	_ =	strace $0xD0000000  }
0x3: {  	_ = 	snop  }
0x4: {  	_ = 	snop  }
0x5: {  	_ = 	snop  }
0x6: {  	_ = 	snop  }
0x7: {  	_ = 	snop  }
__scs_overlays_trampoline_lowered:
0x8: {  	[smem:$0x3FAE] =	sst s0  }
0x9: {  	[smem:$0x3FAF] =	sst s1  }
0xa: {  	[smem:$0x3FB0] =	sst s2  }
0xb: {  	[smem:$0x3FB1] =	sst s3  }
0xc: {  	[smem:$0x3FB2] =	sst s4  }
0xd: {  	[smem:$0x3FB3] =	sst s5  }
0xe: {  	[smem:$0x3FB4] =	sst s6  }
0xf: {  	[smem:$0x3FB5] =	sst s7  }
0x10: {  	[smem:$0x3FB6] =	sst s8  }
0x11: {  	[smem:$0x3FB7] =	sst s9;
	s0 =	simm.s32 @!p0 $0x0  }
0x12: {  	s1 =	sld [smem:$0x3F9D];
	s0 =	simm.s32 @p0 $0x1  }
0x13: {  	[smem:$0x3FB8] =	sst s0;
	s0 =	simm.s32 @!p1 $0x0  }
0x14: {  	s2 =	sld [smem:$0x3F9C];
	s0 =	simm.s32 @p1 $0x1  }
0x15: {  	[smem:$0x3FB9] =	sst s0;
	s0 =	simm.s32 @!p2 $0x0  }
0x16: {  	s3 =	sld [smem:$0x3FDB];
	s0 =	simm.s32 @p2 $0x1  }
0x17: {  	s4 =	simm.s32 $0x1BF5;
	[smem:$0x3FBB] =	sst s0  }
0x18: {  	s0 =	sld [smem:$0x3F9E];
	_ =	swait.ge [sflag:s4], $0x0  }
0x19: {  	s7 =	sld [smem:$0x3F9F]  }
0x1a: {  	s8 =	sadd.s32 $0xFFFFE003, lr  }
0x1b: {  	s9 =	sadd.s32 $0xFFFFFEF7, lr;
	s5 =	simm.s32 $0xFFFFFFFF;
	p2 =	slt.u32 s8, $0xFFFFF086  }
0x1c: {  	p1 =	slt.u32 s9, $0xF7A;
	s5 =	simm.s32 @!p2 $0x0  }
0x1d: {  	s5 =	simm.s32 @p1 $0x1;
	p0 =	seq.s32 s7, s2  }
0x1e: {  	s7 =	smul.u32 @!p0 $0xF7A, s2;
	p2 =	seq.s32 @!p0 s5, $0x0  }
0x1f: {  	s9 =	smul.u32 $0xF7A, s1;
	s8 =	simm.s32 @!p0 $0x1BF5;
	p2 =	por !p2, p0  }
0x20: {  	[sflag:s8] =	ssyncset.s32 @!p0 $0xFFFFF086;
	s6 =	sadd.s32 @!p0 s3, s7;
	s7 =	simm.s32 @!p0 $0x108  }
0x21: {  	s3 =	sadd.s32 s3, s9;
	s6 =	sadd.s32 @!p0 $0x88, s6;
	s7 =	simm.s32 @p2 $0x1082  }
0x22: {  	[simem:s7], [sflag:s8] =	dma.local @!p0 [hbm:s6], $0xF7A  }
0x23: {  	s9 =	sor.u32 $0xD0000000, s2;
	s6 =	simm.s32 $0x108;
	_ =	swait.ge @!p0 [sflag:s8], $0x0  }
0x24: {  	s3 =	sadd.s32 $0x88, s3;
	s6 =	simm.s32 @!p1 $0x1082;
	[sflag:s4] =	ssyncset.s32 $0xFFFFF086  }
0x25: {  	[simem:s6], [sflag:s4] =	dma.local [hbm:s3], $0xF7A  }
0x26: {  	[smem:$0x3F9F] =	sst s1;
	(tag) =	ssettag s2;
	_ =	strace s9  }
0x27: {  	s1 =	sld [smem:$0x3FAF]  }
0x28: {  	s2 =	sld [smem:$0x3FB0]  }
0x29: {  	s4 =	sld [smem:$0x3FB2]  }
0x2a: {  	p0 =	seq.s32 s5, $0x0;
	s5 =	sld [smem:$0x3FB3]  }
0x2b: {  	s6 =	sld [smem:$0x3FB4]  }
0x2c: {  	s7 =	sld [smem:$0x3FB5]  }
0x2d: {  	s3 =	simm.s32 $0x108;
	s8 =	sld [smem:$0x3FB6]  }
0x2e: {  	s3 =	simm.s32 @!p0 $0x1082;
	s9 =	sld [smem:$0x3FB7]  }
0x2f: {  	lr =	sadd.s32 s0, s3;
	s0 =	sld [smem:$0x3FAE]  }
0x30: {  	s3 =	sld [smem:$0x3FB1]  }
0x31: {  	[smem:$0x3FBA] =	sst s10  }
0x32: {  	s10 =	sld [smem:$0x3FB8];
	_ =	sdelay $0x3  }
0x33: {  	p0 =	seq.s32 s10, $0x1;
	s10 =	sld [smem:$0x3FBA];
	_ =	sdelay $0x3  }
0x34: {  	[smem:$0x3FBA] =	sst s10  }
0x35: {  	s10 =	sld [smem:$0x3FB9];
	_ =	sdelay $0x3  }
0x36: {  	p1 =	seq.s32 s10, $0x1;
	s10 =	sld [smem:$0x3FBA];
	_ =	sdelay $0x3  }
0x37: {  	[smem:$0x3FBA] =	sst s10  }
0x38: {  	s10 =	sld [smem:$0x3FBB]  }
0x39: {  	_ = 	snop;
	(pc) =	sbr.ind lr, $3  }
0x3a: {  	_ = 	snop  }
0x3b: {  	_ = 	snop  }
0x3c: {  	p2 =	seq.s32 s10, $0x1;
	s10 =	sld [smem:$0x3FBA]  }
0x3d: {  	_ =	shalt  }
0x3e: {  	_ =	shalt  }
0x3f: {  	_ =	shalt  }
0x40: {  	_ =	shalt  }
0x41: {  	_ =	shalt  }
0x42: {  	_ =	shalt  }
0x43: {  	_ =	shalt  }
0x44: {  	_ =	shalt  }
0x45: {  	_ =	shalt  }
0x46: {  	_ =	shalt  }
0x47: {  	_ =	shalt  }
0x48: {  	_ =	shalt  }
0x49: {  	_ =	shalt  }
0x4a: {  	_ =	shalt  }
0x4b: {  	_ =	shalt  }
0x4c: {  	_ =	shalt  }
0x4d: {  	_ =	shalt  }
0x4e: {  	_ =	shalt  }
0x4f: {  	_ =	shalt  }
0x50: {  	_ =	shalt  }
0x51: {  	_ =	shalt  }
0x52: {  	_ =	shalt  }
0x53: {  	_ =	shalt  }
0x54: {  	_ =	shalt  }
0x55: {  	_ =	shalt  }
0x56: {  	_ =	shalt  }
0x57: {  	_ =	shalt  }
0x58: {  	_ =	shalt  }
0x59: {  	_ =	shalt  }
0x5a: {  	_ =	shalt  }
0x5b: {  	_ =	shalt  }
0x5c: {  	_ =	shalt  }
0x5d: {  	_ =	shalt  }
0x5e: {  	_ =	shalt  }
0x5f: {  	_ =	shalt  }
0x60: {  	_ =	shalt  }
0x61: {  	_ =	shalt  }
0x62: {  	_ =	shalt  }
0x63: {  	_ =	shalt  }
0x64: {  	_ =	shalt  }
0x65: {  	_ =	shalt  }
0x66: {  	_ =	shalt  }
0x67: {  	_ =	shalt  }
0x68: {  	_ =	shalt  }
0x69: {  	_ =	shalt  }
0x6a: {  	_ =	shalt  }
0x6b: {  	_ =	shalt  }
0x6c: {  	_ =	shalt  }
0x6d: {  	_ =	shalt  }
0x6e: {  	_ =	shalt  }
0x6f: {  	_ =	shalt  }
0x70: {  	_ =	shalt  }
0x71: {  	_ =	shalt  }
0x72: {  	_ =	shalt  }
0x73: {  	_ =	shalt  }
0x74: {  	_ =	shalt  }
0x75: {  	_ =	shalt  }
0x76: {  	_ =	shalt  }
0x77: {  	_ =	shalt  }
0x78: {  	_ =	shalt  }
0x79: {  	_ =	shalt  }
0x7a: {  	_ =	shalt  }
0x7b: {  	_ =	shalt  }
0x7c: {  	_ =	shalt  }
0x7d: {  	_ =	shalt  }
0x7e: {  	_ =	shalt  }
0x7f: {  	_ =	shalt  }
0x80: {  	_ =	shalt  }
0x81: {  	_ =	shalt  }
0x82: {  	_ =	shalt  }
0x83: {  	_ =	shalt  }
0x84: {  	_ =	shalt  }
0x85: {  	_ =	shalt  }
0x86: {  	_ =	shalt  }
0x87: {  	_ =	shalt  }
.Lfunc_end0:
.L_simem_size_0:
called_computation_lowered:
.L_overlay_start_0:
0x88: {  	s2 =	sld [smem:$0x3FD9]  }
0x89: {  	s3 =	sld [smem:$0x3FFE];
	_ =	sdelay $0x1  }
0x8a: {  	s1 =	srdreg.scid  }
0x8b: {  	s0 =	sand.u32 $0x1, s1  }
0x8c: {  	s17 =	sshll.u32 s0, $0xA;
	s2 =	sadd.s32 s3, s2  }
0x8d: {  	s2 =	sadd.s32 s2, s17  }
0x8e: {  	[smem:$0x3FC6] =	sst s2  }
0x8f: {  	_ = 	snop  }
0x90: {  	s2 =	sld [smem:$0x3FC8]  }
0x91: {  	s18 =	sld [smem:$0x3FD0];
	(tm) =	ssettm $0x1  }
0x92: {  	s4 =	sld [smem:$0x3FFB];
	_ =	sdelay $0x3  }
0x93: {  	_ =	strace s4  }
0x94: {  	s4 =	sld [smem:$0x3FFC];
	_ =	sdelay $0x3  }
0x95: {  	_ =	strace s4  }
0x96: {  	s4 =	sld [smem:$0x3FFD];
	_ =	sdelay $0x3  }
0x97: {  	_ =	strace s4  }
0x98: {  	_ =	strace $0x8FFFFFFF  }
0x99: {  	s19 =	sld [smem:$0x3FDB];
	_ =	sdelay $0x1  }
0x9a: {  	s5 =	simm.s32 $_scs_section_size  }
0x9b: {  	s6 =	simm.s32 $_size__tile_overlayer_lowered;
	s7 =	simm.s32 $_tile_overlayer_lowered  }
0x9c: {  	s22 =	simm.s32 $0x1BFF;
	s21 =	sshll.u32 s7, $0x1;
	s4 =	sadd.s32 s5, s19  }
0x9d: {  	s8 =	simm.s32 $0x0;
	s20 =	sshll.u32 s6, $0x1;
	s6 =	sadd.s32 s21, s4  }
0x9e: {  	[timem:s8], [sflag:s22] =	dma.local [hbm:s6], s20  }
0x9f: {  	_ =	swait.ge [sflag:s22], s20  }
0xa0: {  	s5 =	ssub.s32 $0x0, s20;
	[sflag:s22] =	ssyncset.done $0x0  }
0xa1: {  	[sflag:s22] =	ssyncadd.s32 s5;
	_ =	sdelay $0x1  }
0xa2: {  	s23 =	simm.s32 $0x1B8B  }
0xa3: {  	_ =	swait.ge [sflag:s23], $0x1  }
0xa4: {  	[sflag:s23] =	ssyncset.done $0x0  }
0xa5: {  	s25 =	simm.s32 $0x1B8E;
	s24 =	sld [smem:$0x3FFE];
	[sflag:s23] =	ssyncadd.s32 $0xFFFFFFFF  }
0xa6: {  	s26 =	simm.s32 $execute0_lowered;
	[smem:$0x3FD2] =	sst s25  }
0xa7: {  	s6 =	sshll.u32 s26, $0x1;
	_ =	strace $0x80000046;
	[dreg:$0x1] =	wrdreg $0xFFFFFFFF  }
0xa8: {  	s28 =	simm.s32 $_size_execute0_lowered;
	s4 =	sadd.s32 s4, s6;
	[dreg:$0x0] =	wrdreg $0x0  }
0xa9: {  	s6 =	sshll.u32 s28, $0x1;
	[dreg:$0x2] =	wrdreg s4  }
0xaa: {  	[dreg:$0x3] =	wrdreg s6  }
0xab: {  	[dreg:$0x4] =	wrdreg $0xC0  }
0xac: {  	_ =	task [dreg:s8], $0x5FFFF  }
0xad: {  	[dreg:$0x1] =	wrdreg $0xFFFFFFFF  }
0xae: {  	[dreg:$0x0] =	wrdreg $0x60  }
0xaf: {  	[dreg:$0x2] =	wrdreg s24  }
0xb0: {  	[dreg:$0x3] =	wrdreg s2  }
0xb1: {  	[dreg:$0x4] =	wrdreg s18  }
0xb2: {  	[dreg:$0x5] =	wrdreg $0xB7800  }
0xb3: {  	[dreg:$0x6] =	wrdreg $0x9  }
0xb4: {  	_ =	task.clear_ibuf [dreg:s8], $0x7FFFF;
	_ =	strace $0x90000046  }
0xb5: {  	s29 =	simm.s32 $0x9;
	_ =	strace $0x80000048  }
0xb6: {  	_ =	swait.ge [sflag:s29], $0x1  }
0xb7: {  	[sflag:s29] =	ssyncadd.s32 $0xFFFFFFFF  }
0xb8: {  	_ =	strace $0x90000048  }
0xb9: {  	_ =	sfence  }
0xba: {  	s30 =	sld [smem:$0x0];
	_ =	sdelay $0x2  }
0xbb: {  	s31 =	sshll.u32 s1, $0xD;
	s1 =	sshrl.u32 s1, $0x2  }
0xbc: {  	s3 =	sand.u32 $0x4000, s31;
	s1 =	sadd.s32 s1, s30  }
0xbd: {  	s0 =	sor.u32 s3, s0;
	s1 =	sshll.u32 s1, $0x11  }
0xbe: {  	s0 =	sor.u32 s1, s0  }
0xbf: {  	s0 =	sadd.s32 $0x8F2B, s0  }
0xc0: {  	[sflag:s0] =	ssyncadd.remote.s32 $0x1  }
0xc1: {  	_ =	sfence.sel $0xFFFF  }
0xc2: {  	[dreg:$0x0] =	wrdreg $0xFFFFFFFF;
	(pc) =	sbr.abs _section_cstart, $3  }
0xc3: {  	[dreg:$0x1] =	wrdreg $0xFFFFFFFF  }
0xc4: {  	_ =	task.clear_ibuf [dreg:s8], $0x2FFFF;
	_ =	strace $0x9FFFFFFF  }
0xc5: {  	(tm) =	ssettm $0x7FFFFFFF  }
tec
execute0_lowered:
.L_overlay_start_1:
0x0: {  	(tag) =	ssettag $0x1  }
0x1: {  	s1 =	rddreg [dreg:$0x0]  }
0x2: {  	s0 =	rddreg [dreg:$0x1]  }
0x3: {  	s2 =	srdreg.scid;
	s7 =	rddreg [dreg:$0x2]  }
0x4: {  	s12 =	stileid.u32;
	s17 =	simm.s32 $0x2780;
	s18 =	simm.s32 $0x50  }
0x5: {  	s19 =	simm.s32 $0x6780;
	s28 =	simm.s32 $0x6580;
	s29 =	simm.s32 $0x0  }
0x6: {  	s6 =	sand.u32 $0x1, s2;
	s2 =	rddreg [dreg:$0x3];
	s9 =	smul.u32 $0x4E000, s12  }
0x7: {  	s5 =	sshll.u32 s12, $0x7;
	s11 =	smul.u32 $0x13800, s12;
	s13 =	sadd.s32 $0x19E00, s1  }
0x8: {  	s24 =	sshll.u32 s12, $0x6;
	p0 =	sne.s32 s12, $0x0;
	s3 =	sshll.u32 s6, $0x4  }
0x9: {  	s5 =	sand.u32 $0x380, s5;
	s20 =	ssub.s32 $0x2, s6;
	s25 =	smul.u32 $0x138800, s6  }
0xa: {  	s16 =	sadd.s32 $0x138000, s2;
	s6 =	sadd.s32 $0x27000, s7;
	s8 =	sor.u32 s12, s3  }
0xb: {  	s3 =	simm.s32 $0x0;
	s21 =	sshrl.u32 s20, $0x1;
	s22 =	sshrl.u32 s9, $0x2  }
0xc: {  	s23 =	sshrl.u32 s11, $0x3;
	s4 =	sshrl.u32 s8, $0x3;
	[smem:$0x7FF] =	sst s3  }
0xd: {  	s14 =	ssub.s32 s20, s21;
	s15 =	sadd.s32 s22, s2;
	s8 =	sshll.u32 s8, $0xB  }
0xe: {  	s26 =	sadd.s32 s11, s25;
	s9 =	sshrl.u32 s25, $0x3;
	s20 =	simm.s32 $0x1  }
0xf: {  	s21 =	simm.s32 $0x8F80;
	s22 =	simm.s32 $0x2;
	s25 =	simm.s32 $0x26C0  }
0x10: {  	s4 =	smul.u32 $0x13C00, s4;
	_ =	strace $0x80000047;
	s8 =	sadd.s32 s1, s8  }
0x11: {  	s30 =	sshrl.u32 s26, $0x3;
	s31 =	sadd.s32 s13, s9;
	s11 =	smax.u32 s14, $0x1  }
0x12: {  	s12 =	sshrl.u32 s15, $0x3;
	s14 =	sshrl.u32 @!p0 s16, $0x3;
	s16 =	simm.s32 $0x400  }
0x13: {  	s26 =	simm.s32 $0x6500;
	s9 =	sadd.s32 s13, s30;
	s4 =	sor.u32 s5, s4  }
0x14: {  	s13 =	simm.s32 $0x5;
	s5 =	sor.u32 $0x1C05, s24;
	s4 =	sshrl.u32 s4, $0x3  }
0x15: {  	s24 =	simm.s32 $0x4;
	s10 =	sadd.s32 s4, s1;
	s4 =	sadd.s32 s7, s23  }
0x16: {  	s23 =	simm.s32 $0x3;
	s7 =	sadd.s32 $0x10000, s10;
	s10 =	sadd.s32 $0x27000, s31  }
.LBB2_1:
0x17: {  	[spmem:s12], [sflag:s5] =	dma.local [hbm:s4], $0x2700  }
0x18: {  	_ =	swait.ge [sflag:s13], $0x2700  }
0x19: {  	[sflag:s13] =	ssyncset.done $0x0  }
0x1a: {  	s1 =	simm.s32 @!p0 $0x5;
	[sflag:s13] =	ssyncadd.s32 $0xFFFFD900  }
0x1b: {  	[spmem:s14], [sflag:s5] =	dma.local @!p0 [hbm:s6], $0x100  }
0x1c: {  	_ =	swait.ge @!p0 [sflag:s1], $0x100  }
0x1d: {  	[sflag:s1] =	ssyncset.done @!p0 $0x0  }
0x1e: {  	s15 =	simm.s32 $0x80;
	[sflag:s1] =	ssyncadd.s32 @!p0 $0xFFFFFF00  }
0x1f: {  	[tilespmem:s3], [sflag:$0x5] =	stream.strided.gather [hbm4b:s7+s15], $0x2780, s16, s15, $0x38;
	[tilespmem:$0x1F000] =	vst v63  }
0x20: {  	_ =	swait.ge [sflag:s13], $0x2780  }
0x21: {  	[sflag:s13] =	ssyncset.done $0x0  }
0x22: {  	[sflag:s13] =	ssyncadd.s32 $0xFFFFD880  }
0x23: {  	[tilespmem:s17], [sflag:$0x5] =	stream.linear.gather [hbm4b:s8+s3], $0x3E80, $0x38;
	[tilespmem:$0x1F000] =	vst v63  }
0x24: {  	_ =	swait.ge [sflag:s13], $0x3E80  }
0x25: {  	[sflag:s13] =	ssyncset.done $0x0  }
0x26: {  	[sflag:s13] =	ssyncadd.s32 $0xFFFFC180  }
0x27: {  	[bflag:$0x0] =	sbarrier.arrive $0xFFFF  }
0x28: {  	[tilespmem:s19], [sflag:$0x1] =	stream.indirect.gather [hbm4b:s0+s18], $0x80, s3, s18, $0xb8;
	[tilespmem:$0x1F000] =	vst v63  }
0x29: {  	_ =	swait.ge [sflag:s20], $0x2800  }
0x2a: {  	[sflag:s20] =	ssyncset.done $0x0  }
0x2b: {  	[sflag:s20] =	ssyncadd.s32 $0xFFFFD800  }
0x2c: {  	[tilespmem:s21], [sflag:$0x2] =	stream.indirect.gather [hbm4b:s0+s18], $0x80, s18, s18, $0xb8;
	[tilespmem:$0x1F000] =	vst v63  }
0x2d: {  	_ = 	snop  }
0x2e: {  	[spmem:s2] =	stream.indirect.scatter.add.f32 [tilespmem:s19], [sflag:$0x3], $0x80, s17, s18, $0xb8;
	[tilespmem:$0x1F000] =	vst v63  }
0x2f: {  	_ =	swait.ge [sflag:s22], $0x2800  }
0x30: {  	[sflag:s22] =	ssyncset.done $0x0  }
0x31: {  	[sflag:s22] =	ssyncadd.s32 $0xFFFFD800  }
0x32: {  	_ =	swait.ge [sflag:s23], $0x2800  }
0x33: {  	[sflag:s23] =	ssyncset.done $0x0  }
0x34: {  	s15 =	simm.s32 $0xA0;
	[sflag:s23] =	ssyncadd.s32 $0xFFFFD800  }
0x35: {  	[tilespmem:s19], [sflag:$0x1] =	stream.indirect.gather [hbm4b:s0+s18], $0x80, s15, s18, $0xb8;
	[tilespmem:$0x1F000] =	vst v63  }
0x36: {  	s15 =	simm.s32 $0x2800  }
0x37: {  	[spmem:s2] =	stream.indirect.scatter.add.f32 [tilespmem:s21], [sflag:$0x4], $0x80, s15, s18, $0xb8;
	[tilespmem:$0x1F000] =	vst v63  }
0x38: {  	_ =	swait.ge [sflag:s20], $0x2800  }
0x39: {  	[sflag:s20] =	ssyncset.done $0x0  }
0x3a: {  	[sflag:s20] =	ssyncadd.s32 $0xFFFFD800  }
0x3b: {  	_ =	swait.ge [sflag:s24], $0x2800  }
0x3c: {  	s30 =	simm.s32 $0xFFFF6A00;
	s31 =	simm.s32 $0x2900;
	[sflag:s24] =	ssyncset.done $0x0  }
0x3d: {  	s1 =	simm.s32 $0x2880;
	s15 =	simm.s32 $0xF0;
	[sflag:s24] =	ssyncadd.s32 $0xFFFFD800  }
0x3e: {  	[tilespmem:s21], [sflag:$0x2] =	stream.indirect.gather [hbm4b:s0+s18], $0x80, s15, s18, $0xb8;
	[tilespmem:$0x1F000] =	vst v63  }
.LBB2_2:
0x3f: {  	[spmem:s2] =	stream.indirect.scatter.add.f32 [tilespmem:s19], [sflag:$0x3], $0x80, s1, s18, $0xb8;
	[tilespmem:$0x1F000] =	vst v63  }
0x40: {  	s1 =	smov.u32 s30  }
0x41: {  	p1 =	sne.s32 s30, $0xFFFFFD80;
	s30 =	sadd.s32 $0x280, s30;
	_ =	swait.ge [sflag:s22], $0x2800  }
0x42: {  	[sflag:s22] =	ssyncset.done $0x0  }
0x43: {  	[sflag:s22] =	ssyncadd.s32 $0xFFFFD800  }
0x44: {  	_ =	swait.ge [sflag:s23], $0x2800  }
0x45: {  	s1 =	sshra.s32 s1, $0x2;
	[sflag:s23] =	ssyncset.done $0x0  }
0x46: {  	s15 =	sadd.s32 $0x26C0, s1;
	[sflag:s23] =	ssyncadd.s32 $0xFFFFD800  }
0x47: {  	[tilespmem:s19], [sflag:$0x1] =	stream.indirect.gather [hbm4b:s0+s18], $0x80, s15, s18, $0xb8;
	[tilespmem:$0x1F000] =	vst v63  }
0x48: {  	_ = 	snop  }
0x49: {  	[spmem:s2] =	stream.indirect.scatter.add.f32 [tilespmem:s21], [sflag:$0x4], $0x80, s31, s18, $0xb8;
	[tilespmem:$0x1F000] =	vst v63  }
0x4a: {  	_ =	swait.ge [sflag:s20], $0x2800  }
0x4b: {  	[sflag:s20] =	ssyncset.done $0x0  }
0x4c: {  	[sflag:s20] =	ssyncadd.s32 $0xFFFFD800  }
.Ltmp0:
0x4d: {  	_ =	swait.ge [sflag:s24], $0x2800;
	(pc) =	sbr.rel @p1 .LBB2_2-.Ltmp0, $4  }
0x4e: {  	[sflag:s24] =	ssyncset.done $0x0  }
0x4f: {  	s1 =	sadd.s32 $0x2710, s1;
	[sflag:s24] =	ssyncadd.s32 $0xFFFFD800  }
0x50: {  	[tilespmem:s21], [sflag:$0x2] =	stream.indirect.gather [hbm4b:s0+s18], $0x80, s1, s18, $0xb8;
	[tilespmem:$0x1F000] =	vst v63  }
0x51: {  	s1 =	sadd.s32 $0x80, s31;
	s31 =	sadd.s32 $0x100, s31  }
0x52: {  	[spmem:s2] =	stream.indirect.scatter.add.f32 [tilespmem:s19], [sflag:$0x3], $0x80, s1, s18, $0xb8;
	[tilespmem:$0x1F000] =	vst v63  }
0x53: {  	_ =	swait.ge [sflag:s22], $0x2800  }
0x54: {  	[sflag:s22] =	ssyncset.done $0x0  }
0x55: {  	[sflag:s22] =	ssyncadd.s32 $0xFFFFD800  }
0x56: {  	_ =	swait.ge [sflag:s23], $0x2800  }
0x57: {  	[sflag:s23] =	ssyncset.done $0x0  }
0x58: {  	[sflag:s23] =	ssyncadd.s32 $0xFFFFD800  }
0x59: {  	[tilespmem:s19], [sflag:$0x1] =	stream.indirect.gather [hbm4b:s0+s18], $0x80, s25, s18, $0xb8;
	[tilespmem:$0x1F000] =	vst v63  }
0x5a: {  	_ = 	snop  }
0x5b: {  	[spmem:s2] =	stream.indirect.scatter.add.f32 [tilespmem:s21], [sflag:$0x4], $0x80, s26, s18, $0xb8;
	[tilespmem:$0x1F000] =	vst v63  }
0x5c: {  	_ =	swait.ge [sflag:s20], $0x2800  }
0x5d: {  	[sflag:s20] =	ssyncset.done $0x0  }
0x5e: {  	[sflag:s20] =	ssyncadd.s32 $0xFFFFD800  }
0x5f: {  	_ =	swait.ge [sflag:s24], $0x2800  }
0x60: {  	[sflag:s24] =	ssyncset.done $0x0  }
0x61: {  	[sflag:s24] =	ssyncadd.s32 $0xFFFFD800  }
0x62: {  	[spmem:s2] =	stream.indirect.scatter.add.f32 [tilespmem:s19], [sflag:$0x3], $0x80, s28, s18, $0xb8;
	[tilespmem:$0x1F000] =	vst v63  }
0x63: {  	_ =	swait.ge [sflag:s23], $0x2800  }
0x64: {  	[sflag:s23] =	ssyncset.done $0x0  }
0x65: {  	[sflag:s23] =	ssyncadd.s32 $0xFFFFD800  }
0x66: {  	[bflag:$0x0] =	sbarrier.arrive $0xFFFF  }
0x67: {  	[hbm:s9], [sflag:s5] =	dma.local [spmem:s12], $0x2700  }
0x68: {  	s29 =	sadd.s32 $0x1, s29;
	_ =	swait.ge [sflag:s13], $0x2700  }
0x69: {  	p1 =	sne.s32 s29, s11;
	[sflag:s13] =	ssyncset.done $0x0  }
.Ltmp1:
0x6a: {  	s1 =	simm.s32 @!p0 $0x5;
	[sflag:s13] =	ssyncadd.s32 $0xFFFFD900;
	(pc) =	sbr.rel @p1 .LBB2_1-.Ltmp1, $4  }
0x6b: {  	[hbm:s10], [sflag:s5] =	dma.local @!p0 [spmem:s14], $0x100  }
0x6c: {  	_ =	swait.ge @!p0 [sflag:s1], $0x100  }
0x6d: {  	[sflag:s1] =	ssyncset.done @!p0 $0x0  }
0x6e: {  	[sflag:s1] =	ssyncadd.s32 @!p0 $0xFFFFFF00  }
0x6f: {  	_ =	sfence.sel $0x180000  }
0x70: {  	[bflag:$0x0] =	sbarrier.arrive $0xFFFF  }
0x71: {  	_ =	strace $0x90000047  }
0x72: {  	[bflag:$0x2] =	sbarrier.arrive $0xFFFF  }
0x73: {  	s0 =	rddreg [dreg:$0x4]  }
0x74: {  	s0 =	sadd.s32 @!p0 $0x100000, s0  }
0x75: {  	[sflag:s0] =	ssyncadd.tile.s32 @!p0 $0x1;
	_ =	shalt  }
.Lfunc_end2:
_tile_overlayer_lowered:
.L_overlay_start_2:
0x76: {  	(tag) =	ssettag $0x2  }
0x77: {  	s0 =	rddreg [dreg:$0x0];
	s2 =	stileid.u32  }
0x78: {  	s1 =	rddreg [dreg:$0x1];
	p0 =	sne.s32 s2, $0x0  }
0x79: {  	s3 =	rddreg [dreg:$0x2];
	[bflag:$0x3] =	sbarrier.arrive $0xFFFF;
	s2 =	simm.s32 @!p0 $0x1C05  }
0x7a: {  	[timem:s3], [sflag:s2] =	dma.local @!p0 [hbm:s0], s1  }
0x7b: {  	s0 =	simm.s32 @!p0 $0x5  }
0x7c: {  	_ =	swait.ge @!p0 [sflag:s0], s1  }
0x7d: {  	s1 =	ssub.s32 @!p0 $0x0, s1;
	[sflag:s0] =	ssyncset.done @!p0 $0x0  }
0x7e: {  	[sflag:s0] =	ssyncadd.s32 @!p0 s1  }
0x7f: {  	[bflag:$0x3] =	sbarrier.arrive $0xFFFF  }
0x80: {  	_ =	shalt  }

</sc_bundles>
